<compile_context>
chip_gen: v7x
topology: tpu7x:2x2x1
jax: 0.10.2.dev20260603
libtpu: 0.0.44.dev20260713+nightly
codegen_flags: <defaults>
</compile_context>

<pallas_src>
import functools

import jax
import jax.numpy as jnp
from jax import lax
from jax.experimental import pallas as pl
from jax.experimental.pallas import tpu as pltpu
from jax.experimental.pallas import tpu_sc as plsc

NUM_FIELDS = 26
FIELDS_PER_CORE = 13
FIELD_SIZE = 100000
BATCH = 16384
CHUNK = 4096
NCHUNKS = BATCH // CHUNK
LANES = 16
VECS = CHUNK // LANES
STAGE = FIELD_SIZE + 96

_mesh = plsc.VectorSubcoreMesh(core_axis_name="c", subcore_axis_name="s")


@functools.partial(
    pl.kernel,
    out_type=jax.ShapeDtypeStruct((NUM_FIELDS, BATCH), jnp.float32),
    mesh=_mesh,
    scratch_types=[
        pltpu.VMEM((STAGE,), jnp.float32),
        pltpu.VMEM((BATCH,), jnp.int32),
        pltpu.VMEM((CHUNK,), jnp.float32),
        pltpu.VMEM((CHUNK,), jnp.float32),
        pltpu.SemaphoreType.DMA,
        pltpu.SemaphoreType.DMA,
        pltpu.SemaphoreType.DMA,
        pltpu.SemaphoreType.DMA,
    ],
    compiler_params=pltpu.CompilerParams(needs_layout_passes=False),
)
def _gather_fields(w_hbm, xt_hbm, out_hbm, table_v, x_v, emb0_v, emb1_v,
                   sem_t, sem_x, sem_w0, sem_w1):
    sid = lax.axis_index("s")
    f = lax.axis_index("c") * FIELDS_PER_CORE + sid

    @pl.when(sid < FIELDS_PER_CORE)
    def _():
        base = f * FIELD_SIZE
        corr = lax.rem(base, 128)
        aligned = pl.multiple_of(base - corr, 128)
        half = STAGE // 2
        cp_t0 = pltpu.make_async_copy(
            w_hbm.at[0, pl.ds(aligned, half)], table_v.at[pl.ds(0, half)],
            sem_t)
        cp_t0.start()
        cp_t1 = pltpu.make_async_copy(
            w_hbm.at[0, pl.ds(aligned + half, half)],
            table_v.at[pl.ds(half, half)], sem_t)
        cp_t1.start()
        cp_x = pltpu.make_async_copy(xt_hbm.at[f, :], x_v, sem_x)
        cp_x.start()
        cp_t0.wait()
        cp_t1.wait()
        cp_x.wait()

        embs = (emb0_v, emb1_v)
        sems = (sem_w0, sem_w1)
        writes = []
        for c in range(NCHUNKS):
            emb_v = embs[c % 2]
            if len(writes) >= 2:
                writes[c - 2].wait()

            @plsc.parallel_loop(0, VECS, 1, unroll=8)
            def _gather(i, c=c, emb_v=emb_v):
                idx = x_v[pl.ds(c * CHUNK + i * LANES, LANES)] + corr
                emb_v[pl.ds(i * LANES, LANES)] = plsc.load_gather(
                    table_v, [idx])

            cp_w = pltpu.make_async_copy(
                emb_v, out_hbm.at[f, pl.ds(c * CHUNK, CHUNK)], sems[c % 2])
            cp_w.start()
            writes.append(cp_w)
        writes[-2].wait()
        writes[-1].wait()


def _reduce_body(p_ref, b_ref, o_ref):
    o_ref[...] = jnp.sum(p_ref[...], axis=0, keepdims=True) + b_ref[0, 0]


@jax.jit
def kernel(x, W, bias):
    xt = x.T
    partials = _gather_fields(W.T, xt)
    out = pl.pallas_call(
        _reduce_body,
        out_shape=jax.ShapeDtypeStruct((1, BATCH), jnp.float32),
    )(partials, bias.reshape(1, 1))
    return out.reshape(BATCH, 1)

# --- scband reference (transcript-rebuilt; emitter-appended) ---
"""Pipeline reference for scband-feature-linear-14121852469593 (READ-ONLY COPY).

The authoritative reference and input builder live on the scoring server;
editing this copy changes nothing except your own understanding.
"""

import jax, jax.numpy as jnp
import numpy as np

FIELD_DIMS = [100000] * 26
OUT_DIM = 1
BATCH = 16384

_offsets = np.concatenate([[0], np.cumsum(FIELD_DIMS)[:-1]]).astype(np.int32)


def setup_inputs(seed: int = 0) -> dict:
    key = jax.random.key(seed)
    k_x, k_w = jax.random.split(key)
    x = jax.random.randint(k_x, (BATCH, len(FIELD_DIMS)), 0, 100000, dtype=jnp.int32)
    W = jax.random.normal(k_w, (int(sum(FIELD_DIMS)), OUT_DIM), dtype=jnp.float32) * 0.01
    bias = jnp.zeros((OUT_DIM,), dtype=jnp.float32)
    return {"x": x, "W": W, "bias": bias}


def reference(x, W, bias):
    offsets = jnp.asarray(_offsets, dtype=x.dtype)
    idx = x + offsets[None, :]            # [B, F] global row ids
    emb = jnp.take(W, idx, axis=0)        # [B, F, out_dim] gather (SparseCore)
    return jnp.sum(emb, axis=1) + bias    # [B, out_dim]

if __name__ == "__main__":
    import jax
    _d = setup_inputs()
    print(jax.jit(kernel)(*tuple(_d.values())))

</pallas_src>

<mosaic_0001>
#map = affine_map<(d0, d1) -> (0, 0)>
module attributes {stable_mosaic.version = 14 : i64} {
  func.func @_gather_fields(%arg0: i32, %arg1: i32, %arg2: memref<1x2600000xf32, #tpu.memory_space<hbm>>, %arg3: memref<26x16384xi32, #tpu.memory_space<hbm>>, %arg4: memref<26x16384xf32, #tpu.memory_space<hbm>>, %arg5: memref<100096xf32, #tpu.memory_space<vmem>>, %arg6: memref<16384xi32, #tpu.memory_space<vmem>>, %arg7: memref<4096xf32, #tpu.memory_space<vmem>>, %arg8: memref<4096xf32, #tpu.memory_space<vmem>>, %arg9: memref<!tpu.dma_semaphore, #tpu.memory_space<semaphore_mem>>, %arg10: memref<!tpu.dma_semaphore, #tpu.memory_space<semaphore_mem>>, %arg11: memref<!tpu.dma_semaphore, #tpu.memory_space<semaphore_mem>>, %arg12: memref<!tpu.dma_semaphore, #tpu.memory_space<semaphore_mem>>) attributes {dimension_semantics = [#tpu.dimension_semantics<core_parallel>, #tpu.dimension_semantics<subcore_parallel>], iteration_bounds = array<i64: 2, 16>, scalar_prefetch = 0 : i64, scratch_operands = 8 : i64, tpu.core_type = #tpu.core_type<sc_vector_subcore>, window_params = [{transform_indices = #map}, {transform_indices = #map}, {transform_indices = #map}]} {
    %mul3A = arith.constant 13 : i32
    %mul3A_0 = arith.muli %arg0, %mul3A : i32
    %add3A = arith.addi %mul3A_0, %arg1 : i32
    %lt3A = arith.constant 13 : i32
    %lt3A_1 = arith.cmpi slt, %arg1, %lt3A : i32
    %convert_element_type3A = arith.extui %lt3A_1 : i1 to i32
    %cond3A = arith.constant 0 : i32
    %cond3A_2 = arith.cmpi ne, %convert_element_type3A, %cond3A : i32
    scf.if %cond3A_2 {
      %mul3A_3 = arith.constant 100000 : i32
      %mul3A_4 = arith.muli %add3A, %mul3A_3 : i32
      %rem3A = arith.constant 128 : i32
      %rem3A_5 = arith.remsi %mul3A_4, %rem3A : i32
      %sub3A = arith.subi %mul3A_4, %rem3A_5 : i32
      %multiple_of3A = tpu.assume_multiple %sub3A, 128 : i32
      %dma_start3A = arith.constant 0 : i32
      %dma_start3A_6 = arith.constant 0 : i32
      %dma_start3A_7 = tpu.memref_slice %arg5[%dma_start3A_6] : memref<100096xf32, #tpu.memory_space<vmem>> -> memref<50048xf32, #tpu.memory_space<vmem>>
      %dma_start3A_8 = tpu.memref_slice %arg2[%dma_start3A, %multiple_of3A] : memref<1x2600000xf32, #tpu.memory_space<hbm>> -> memref<1x50048xf32, #tpu.memory_space<hbm>>
      %dma_start3A_9 = tpu.memref_squeeze %dma_start3A_8 : memref<1x50048xf32, #tpu.memory_space<hbm>> -> memref<50048xf32, #tpu.memory_space<hbm>>
      %dma_start3A_10 = arith.constant 0 : i32
      %dma_start3A_11 = tpu.memref_slice %arg5[%dma_start3A_10] : memref<100096xf32, #tpu.memory_space<vmem>> -> memref<50048xf32, #tpu.memory_space<vmem>>
      %dma_start3A_12 = tpu.memref_slice %arg2[%dma_start3A, %multiple_of3A] : memref<1x2600000xf32, #tpu.memory_space<hbm>> -> memref<1x50048xf32, #tpu.memory_space<hbm>>
      %dma_start3A_13 = tpu.memref_squeeze %dma_start3A_12 : memref<1x50048xf32, #tpu.memory_space<hbm>> -> memref<50048xf32, #tpu.memory_space<hbm>>
      tpu.enqueue_dma source(%dma_start3A_13 : memref<50048xf32, #tpu.memory_space<hbm>>) target(%dma_start3A_11 : memref<50048xf32, #tpu.memory_space<vmem>>) target_semaphore(%arg9 : memref<!tpu.dma_semaphore, #tpu.memory_space<semaphore_mem>>)
      %add3A_14 = arith.constant 50048 : i32
      %add3A_15 = arith.addi %multiple_of3A, %add3A_14 : i32
      %dma_start3A_16 = arith.constant 0 : i32
      %dma_start3A_17 = arith.constant 50048 : i32
      %dma_start3A_18 = tpu.memref_slice %arg5[%dma_start3A_17] : memref<100096xf32, #tpu.memory_space<vmem>> -> memref<50048xf32, #tpu.memory_space<vmem>>
      %dma_start3A_19 = tpu.memref_slice %arg2[%dma_start3A_16, %add3A_15] : memref<1x2600000xf32, #tpu.memory_space<hbm>> -> memref<1x50048xf32, #tpu.memory_space<hbm>>
      %dma_start3A_20 = tpu.memref_squeeze %dma_start3A_19 : memref<1x50048xf32, #tpu.memory_space<hbm>> -> memref<50048xf32, #tpu.memory_space<hbm>>
      %dma_start3A_21 = arith.constant 50048 : i32
      %dma_start3A_22 = tpu.memref_slice %arg5[%dma_start3A_21] : memref<100096xf32, #tpu.memory_space<vmem>> -> memref<50048xf32, #tpu.memory_space<vmem>>
      %dma_start3A_23 = tpu.memref_slice %arg2[%dma_start3A_16, %add3A_15] : memref<1x2600000xf32, #tpu.memory_space<hbm>> -> memref<1x50048xf32, #tpu.memory_space<hbm>>
      %dma_start3A_24 = tpu.memref_squeeze %dma_start3A_23 : memref<1x50048xf32, #tpu.memory_space<hbm>> -> memref<50048xf32, #tpu.memory_space<hbm>>
      tpu.enqueue_dma source(%dma_start3A_24 : memref<50048xf32, #tpu.memory_space<hbm>>) target(%dma_start3A_22 : memref<50048xf32, #tpu.memory_space<vmem>>) target_semaphore(%arg9 : memref<!tpu.dma_semaphore, #tpu.memory_space<semaphore_mem>>)
      %dma_start3A_25 = arith.constant 0 : i32
      %dma_start3A_26 = tpu.memref_slice %arg3[%add3A, %dma_start3A_25] : memref<26x16384xi32, #tpu.memory_space<hbm>> -> memref<1x16384xi32, #tpu.memory_space<hbm>>
      %dma_start3A_27 = tpu.memref_squeeze %dma_start3A_26 : memref<1x16384xi32, #tpu.memory_space<hbm>> -> memref<16384xi32, #tpu.memory_space<hbm>>
      %dma_start3A_28 = arith.constant 0 : i32
      %dma_start3A_29 = tpu.memref_slice %arg3[%add3A, %dma_start3A_28] : memref<26x16384xi32, #tpu.memory_space<hbm>> -> memref<1x16384xi32, #tpu.memory_space<hbm>>
      %dma_start3A_30 = tpu.memref_squeeze %dma_start3A_29 : memref<1x16384xi32, #tpu.memory_space<hbm>> -> memref<16384xi32, #tpu.memory_space<hbm>>
      tpu.enqueue_dma source(%dma_start3A_30 : memref<16384xi32, #tpu.memory_space<hbm>>) target(%arg6 : memref<16384xi32, #tpu.memory_space<vmem>>) target_semaphore(%arg10 : memref<!tpu.dma_semaphore, #tpu.memory_space<semaphore_mem>>)
      %dma_wait3A = arith.constant 0 : i32
      %dma_wait3A_31 = arith.constant 0 : i32
      %dma_wait3A_32 = tpu.memref_slice %arg5[%dma_wait3A_31] : memref<100096xf32, #tpu.memory_space<vmem>> -> memref<50048xf32, #tpu.memory_space<vmem>>
      %dma_wait3A_33 = tpu.memref_slice %arg2[%dma_wait3A, %multiple_of3A] : memref<1x2600000xf32, #tpu.memory_space<hbm>> -> memref<1x50048xf32, #tpu.memory_space<hbm>>
      %dma_wait3A_34 = tpu.memref_squeeze %dma_wait3A_33 : memref<1x50048xf32, #tpu.memory_space<hbm>> -> memref<50048xf32, #tpu.memory_space<hbm>>
      %dma_wait3A_35 = arith.constant 0 : i32
      %dma_wait3A_36 = tpu.memref_slice %arg5[%dma_wait3A_35] : memref<100096xf32, #tpu.memory_space<vmem>> -> memref<50048xf32, #tpu.memory_space<vmem>>
      %dma_wait3A_37 = tpu.memref_slice %arg2[%dma_wait3A, %multiple_of3A] : memref<1x2600000xf32, #tpu.memory_space<hbm>> -> memref<1x50048xf32, #tpu.memory_space<hbm>>
      %dma_wait3A_38 = tpu.memref_squeeze %dma_wait3A_37 : memref<1x50048xf32, #tpu.memory_space<hbm>> -> memref<50048xf32, #tpu.memory_space<hbm>>
      tpu.wait_dma2 semaphore(%arg9 : memref<!tpu.dma_semaphore, #tpu.memory_space<semaphore_mem>>) src(%dma_wait3A_38 : memref<50048xf32, #tpu.memory_space<hbm>>) dst(%dma_wait3A_36 : memref<50048xf32, #tpu.memory_space<vmem>>)
      %dma_wait3A_39 = arith.constant 0 : i32
      %dma_wait3A_40 = arith.constant 50048 : i32
      %dma_wait3A_41 = tpu.memref_slice %arg5[%dma_wait3A_40] : memref<100096xf32, #tpu.memory_space<vmem>> -> memref<50048xf32, #tpu.memory_space<vmem>>
      %dma_wait3A_42 = tpu.memref_slice %arg2[%dma_wait3A_39, %add3A_15] : memref<1x2600000xf32, #tpu.memory_space<hbm>> -> memref<1x50048xf32, #tpu.memory_space<hbm>>
      %dma_wait3A_43 = tpu.memref_squeeze %dma_wait3A_42 : memref<1x50048xf32, #tpu.memory_space<hbm>> -> memref<50048xf32, #tpu.memory_space<hbm>>
      %dma_wait3A_44 = arith.constant 50048 : i32
      %dma_wait3A_45 = tpu.memref_slice %arg5[%dma_wait3A_44] : memref<100096xf32, #tpu.memory_space<vmem>> -> memref<50048xf32, #tpu.memory_space<vmem>>
      %dma_wait3A_46 = tpu.memref_slice %arg2[%dma_wait3A_39, %add3A_15] : memref<1x2600000xf32, #tpu.memory_space<hbm>> -> memref<1x50048xf32, #tpu.memory_space<hbm>>
      %dma_wait3A_47 = tpu.memref_squeeze %dma_wait3A_46 : memref<1x50048xf32, #tpu.memory_space<hbm>> -> memref<50048xf32, #tpu.memory_space<hbm>>
      tpu.wait_dma2 semaphore(%arg9 : memref<!tpu.dma_semaphore, #tpu.memory_space<semaphore_mem>>) src(%dma_wait3A_47 : memref<50048xf32, #tpu.memory_space<hbm>>) dst(%dma_wait3A_45 : memref<50048xf32, #tpu.memory_space<vmem>>)
      %dma_wait3A_48 = arith.constant 0 : i32
      %dma_wait3A_49 = tpu.memref_slice %arg3[%add3A, %dma_wait3A_48] : memref<26x16384xi32, #tpu.memory_space<hbm>> -> memref<1x16384xi32, #tpu.memory_space<hbm>>
      %dma_wait3A_50 = tpu.memref_squeeze %dma_wait3A_49 : memref<1x16384xi32, #tpu.memory_space<hbm>> -> memref<16384xi32, #tpu.memory_space<hbm>>
      %dma_wait3A_51 = arith.constant 0 : i32
      %dma_wait3A_52 = tpu.memref_slice %arg3[%add3A, %dma_wait3A_51] : memref<26x16384xi32, #tpu.memory_space<hbm>> -> memref<1x16384xi32, #tpu.memory_space<hbm>>
      %dma_wait3A_53 = tpu.memref_squeeze %dma_wait3A_52 : memref<1x16384xi32, #tpu.memory_space<hbm>> -> memref<16384xi32, #tpu.memory_space<hbm>>
      tpu.wait_dma2 semaphore(%arg10 : memref<!tpu.dma_semaphore, #tpu.memory_space<semaphore_mem>>) src(%dma_wait3A_53 : memref<16384xi32, #tpu.memory_space<hbm>>) dst(%arg6 : memref<16384xi32, #tpu.memory_space<vmem>>)
      %parallel_loop3A = arith.constant 0 : i32
      %parallel_loop3A_54 = arith.constant 256 : i32
      %parallel_loop3A_55 = arith.constant 1 : i32
      scf.for %parallel_loop3A_113 = %parallel_loop3A to %parallel_loop3A_54 step %parallel_loop3A_55  : i32 {
        %parallel_loop3A_114 = arith.constant 16 : i32
        %parallel_loop3A_115 = arith.muli %parallel_loop3A_113, %parallel_loop3A_114 : i32
        %parallel_loop3A_116 = arith.constant 0 : i32
        %parallel_loop3A_117 = arith.addi %parallel_loop3A_116, %parallel_loop3A_115 : i32
        %parallel_loop3A_118 = arith.index_cast %parallel_loop3A_117 : i32 to index
        %parallel_loop3A_119 = tpu.vector_load %arg6[%parallel_loop3A_118] {strides = array<i32>} : memref<16384xi32, #tpu.memory_space<vmem>>, vector<16xi32>,
        %parallel_loop3A_120 = vector.broadcast %rem3A_5 : i32 to vector<16xi32>
        %parallel_loop3A_121 = arith.addi %parallel_loop3A_119, %parallel_loop3A_120 : vector<16xi32>
        %parallel_loop3A_122 = tpu.vector_load_idx %arg5[%parallel_loop3A_121] : memref<100096xf32, #tpu.memory_space<vmem>>[vector<16xi32>], vector<16xf32>,
        %parallel_loop3A_123 = arith.constant 16 : i32
        %parallel_loop3A_124 = arith.muli %parallel_loop3A_113, %parallel_loop3A_123 : i32
        %parallel_loop3A_125 = arith.index_cast %parallel_loop3A_124 : i32 to index
        %parallel_loop3A_126 = tpu.vector_load %arg7[%parallel_loop3A_125] {strides = array<i32>} : memref<4096xf32, #tpu.memory_space<vmem>>, vector<16xf32>,
        tpu.vector_store %arg7[%parallel_loop3A_125], %parallel_loop3A_122 {strides = array<i32>} : memref<4096xf32, #tpu.memory_space<vmem>>, vector<16xf32>,
      } {sc.loop_unroll_factor = 8 : i64, sc.parallel_access}
      %dma_start3A_56 = arith.constant 0 : i32
      %dma_start3A_57 = tpu.memref_slice %arg4[%add3A, %dma_start3A_56] : memref<26x16384xf32, #tpu.memory_space<hbm>> -> memref<1x4096xf32, #tpu.memory_space<hbm>>
      %dma_start3A_58 = tpu.memref_squeeze %dma_start3A_57 : memref<1x4096xf32, #tpu.memory_space<hbm>> -> memref<4096xf32, #tpu.memory_space<hbm>>
      %dma_start3A_59 = arith.constant 0 : i32
      %dma_start3A_60 = tpu.memref_slice %arg4[%add3A, %dma_start3A_59] : memref<26x16384xf32, #tpu.memory_space<hbm>> -> memref<1x4096xf32, #tpu.memory_space<hbm>>
      %dma_start3A_61 = tpu.memref_squeeze %dma_start3A_60 : memref<1x4096xf32, #tpu.memory_space<hbm>> -> memref<4096xf32, #tpu.memory_space<hbm>>
      tpu.enqueue_dma source(%arg7 : memref<4096xf32, #tpu.memory_space<vmem>>) target(%dma_start3A_61 : memref<4096xf32, #tpu.memory_space<hbm>>) target_semaphore(%arg11 : memref<!tpu.dma_semaphore, #tpu.memory_space<semaphore_mem>>)
      %parallel_loop3A_62 = arith.constant 0 : i32
      %parallel_loop3A_63 = arith.constant 256 : i32
      %parallel_loop3A_64 = arith.constant 1 : i32
      scf.for %parallel_loop3A_113 = %parallel_loop3A_62 to %parallel_loop3A_63 step %parallel_loop3A_64  : i32 {
        %parallel_loop3A_114 = arith.constant 16 : i32
        %parallel_loop3A_115 = arith.muli %parallel_loop3A_113, %parallel_loop3A_114 : i32
        %parallel_loop3A_116 = arith.constant 4096 : i32
        %parallel_loop3A_117 = arith.addi %parallel_loop3A_116, %parallel_loop3A_115 : i32
        %parallel_loop3A_118 = arith.index_cast %parallel_loop3A_117 : i32 to index
        %parallel_loop3A_119 = tpu.vector_load %arg6[%parallel_loop3A_118] {strides = array<i32>} : memref<16384xi32, #tpu.memory_space<vmem>>, vector<16xi32>,
        %parallel_loop3A_120 = vector.broadcast %rem3A_5 : i32 to vector<16xi32>
        %parallel_loop3A_121 = arith.addi %parallel_loop3A_119, %parallel_loop3A_120 : vector<16xi32>
        %parallel_loop3A_122 = tpu.vector_load_idx %arg5[%parallel_loop3A_121] : memref<100096xf32, #tpu.memory_space<vmem>>[vector<16xi32>], vector<16xf32>,
        %parallel_loop3A_123 = arith.constant 16 : i32
        %parallel_loop3A_124 = arith.muli %parallel_loop3A_113, %parallel_loop3A_123 : i32
        %parallel_loop3A_125 = arith.index_cast %parallel_loop3A_124 : i32 to index
        %parallel_loop3A_126 = tpu.vector_load %arg8[%parallel_loop3A_125] {strides = array<i32>} : memref<4096xf32, #tpu.memory_space<vmem>>, vector<16xf32>,
        tpu.vector_store %arg8[%parallel_loop3A_125], %parallel_loop3A_122 {strides = array<i32>} : memref<4096xf32, #tpu.memory_space<vmem>>, vector<16xf32>,
      } {sc.loop_unroll_factor = 8 : i64, sc.parallel_access}
      %dma_start3A_65 = arith.constant 4096 : i32
      %dma_start3A_66 = tpu.memref_slice %arg4[%add3A, %dma_start3A_65] : memref<26x16384xf32, #tpu.memory_space<hbm>> -> memref<1x4096xf32, #tpu.memory_space<hbm>>
      %dma_start3A_67 = tpu.memref_squeeze %dma_start3A_66 : memref<1x4096xf32, #tpu.memory_space<hbm>> -> memref<4096xf32, #tpu.memory_space<hbm>>
      %dma_start3A_68 = arith.constant 4096 : i32
      %dma_start3A_69 = tpu.memref_slice %arg4[%add3A, %dma_start3A_68] : memref<26x16384xf32, #tpu.memory_space<hbm>> -> memref<1x4096xf32, #tpu.memory_space<hbm>>
      %dma_start3A_70 = tpu.memref_squeeze %dma_start3A_69 : memref<1x4096xf32, #tpu.memory_space<hbm>> -> memref<4096xf32, #tpu.memory_space<hbm>>
      tpu.enqueue_dma source(%arg8 : memref<4096xf32, #tpu.memory_space<vmem>>) target(%dma_start3A_70 : memref<4096xf32, #tpu.memory_space<hbm>>) target_semaphore(%arg12 : memref<!tpu.dma_semaphore, #tpu.memory_space<semaphore_mem>>)
      %dma_wait3A_71 = arith.constant 0 : i32
      %dma_wait3A_72 = tpu.memref_slice %arg4[%add3A, %dma_wait3A_71] : memref<26x16384xf32, #tpu.memory_space<hbm>> -> memref<1x4096xf32, #tpu.memory_space<hbm>>
      %dma_wait3A_73 = tpu.memref_squeeze %dma_wait3A_72 : memref<1x4096xf32, #tpu.memory_space<hbm>> -> memref<4096xf32, #tpu.memory_space<hbm>>
      %dma_wait3A_74 = arith.constant 0 : i32
      %dma_wait3A_75 = tpu.memref_slice %arg4[%add3A, %dma_wait3A_74] : memref<26x16384xf32, #tpu.memory_space<hbm>> -> memref<1x4096xf32, #tpu.memory_space<hbm>>
      %dma_wait3A_76 = tpu.memref_squeeze %dma_wait3A_75 : memref<1x4096xf32, #tpu.memory_space<hbm>> -> memref<4096xf32, #tpu.memory_space<hbm>>
      tpu.wait_dma2 semaphore(%arg11 : memref<!tpu.dma_semaphore, #tpu.memory_space<semaphore_mem>>) src(%arg7 : memref<4096xf32, #tpu.memory_space<vmem>>) dst(%dma_wait3A_76 : memref<4096xf32, #tpu.memory_space<hbm>>)
      %parallel_loop3A_77 = arith.constant 0 : i32
      %parallel_loop3A_78 = arith.constant 256 : i32
      %parallel_loop3A_79 = arith.constant 1 : i32
      scf.for %parallel_loop3A_113 = %parallel_loop3A_77 to %parallel_loop3A_78 step %parallel_loop3A_79  : i32 {
        %parallel_loop3A_114 = arith.constant 16 : i32
        %parallel_loop3A_115 = arith.muli %parallel_loop3A_113, %parallel_loop3A_114 : i32
        %parallel_loop3A_116 = arith.constant 8192 : i32
        %parallel_loop3A_117 = arith.addi %parallel_loop3A_116, %parallel_loop3A_115 : i32
        %parallel_loop3A_118 = arith.index_cast %parallel_loop3A_117 : i32 to index
        %parallel_loop3A_119 = tpu.vector_load %arg6[%parallel_loop3A_118] {strides = array<i32>} : memref<16384xi32, #tpu.memory_space<vmem>>, vector<16xi32>,
        %parallel_loop3A_120 = vector.broadcast %rem3A_5 : i32 to vector<16xi32>
        %parallel_loop3A_121 = arith.addi %parallel_loop3A_119, %parallel_loop3A_120 : vector<16xi32>
        %parallel_loop3A_122 = tpu.vector_load_idx %arg5[%parallel_loop3A_121] : memref<100096xf32, #tpu.memory_space<vmem>>[vector<16xi32>], vector<16xf32>,
        %parallel_loop3A_123 = arith.constant 16 : i32
        %parallel_loop3A_124 = arith.muli %parallel_loop3A_113, %parallel_loop3A_123 : i32
        %parallel_loop3A_125 = arith.index_cast %parallel_loop3A_124 : i32 to index
        %parallel_loop3A_126 = tpu.vector_load %arg7[%parallel_loop3A_125] {strides = array<i32>} : memref<4096xf32, #tpu.memory_space<vmem>>, vector<16xf32>,
        tpu.vector_store %arg7[%parallel_loop3A_125], %parallel_loop3A_122 {strides = array<i32>} : memref<4096xf32, #tpu.memory_space<vmem>>, vector<16xf32>,
      } {sc.loop_unroll_factor = 8 : i64, sc.parallel_access}
      %dma_start3A_80 = arith.constant 8192 : i32
      %dma_start3A_81 = tpu.memref_slice %arg4[%add3A, %dma_start3A_80] : memref<26x16384xf32, #tpu.memory_space<hbm>> -> memref<1x4096xf32, #tpu.memory_space<hbm>>
      %dma_start3A_82 = tpu.memref_squeeze %dma_start3A_81 : memref<1x4096xf32, #tpu.memory_space<hbm>> -> memref<4096xf32, #tpu.memory_space<hbm>>
      %dma_start3A_83 = arith.constant 8192 : i32
      %dma_start3A_84 = tpu.memref_slice %arg4[%add3A, %dma_start3A_83] : memref<26x16384xf32, #tpu.memory_space<hbm>> -> memref<1x4096xf32, #tpu.memory_space<hbm>>
      %dma_start3A_85 = tpu.memref_squeeze %dma_start3A_84 : memref<1x4096xf32, #tpu.memory_space<hbm>> -> memref<4096xf32, #tpu.memory_space<hbm>>
      tpu.enqueue_dma source(%arg7 : memref<4096xf32, #tpu.memory_space<vmem>>) target(%dma_start3A_85 : memref<4096xf32, #tpu.memory_space<hbm>>) target_semaphore(%arg11 : memref<!tpu.dma_semaphore, #tpu.memory_space<semaphore_mem>>)
      %dma_wait3A_86 = arith.constant 4096 : i32
      %dma_wait3A_87 = tpu.memref_slice %arg4[%add3A, %dma_wait3A_86] : memref<26x16384xf32, #tpu.memory_space<hbm>> -> memref<1x4096xf32, #tpu.memory_space<hbm>>
      %dma_wait3A_88 = tpu.memref_squeeze %dma_wait3A_87 : memref<1x4096xf32, #tpu.memory_space<hbm>> -> memref<4096xf32, #tpu.memory_space<hbm>>
      %dma_wait3A_89 = arith.constant 4096 : i32
      %dma_wait3A_90 = tpu.memref_slice %arg4[%add3A, %dma_wait3A_89] : memref<26x16384xf32, #tpu.memory_space<hbm>> -> memref<1x4096xf32, #tpu.memory_space<hbm>>
      %dma_wait3A_91 = tpu.memref_squeeze %dma_wait3A_90 : memref<1x4096xf32, #tpu.memory_space<hbm>> -> memref<4096xf32, #tpu.memory_space<hbm>>
      tpu.wait_dma2 semaphore(%arg12 : memref<!tpu.dma_semaphore, #tpu.memory_space<semaphore_mem>>) src(%arg8 : memref<4096xf32, #tpu.memory_space<vmem>>) dst(%dma_wait3A_91 : memref<4096xf32, #tpu.memory_space<hbm>>)
      %parallel_loop3A_92 = arith.constant 0 : i32
      %parallel_loop3A_93 = arith.constant 256 : i32
      %parallel_loop3A_94 = arith.constant 1 : i32
      scf.for %parallel_loop3A_113 = %parallel_loop3A_92 to %parallel_loop3A_93 step %parallel_loop3A_94  : i32 {
        %parallel_loop3A_114 = arith.constant 16 : i32
        %parallel_loop3A_115 = arith.muli %parallel_loop3A_113, %parallel_loop3A_114 : i32
        %parallel_loop3A_116 = arith.constant 12288 : i32
        %parallel_loop3A_117 = arith.addi %parallel_loop3A_116, %parallel_loop3A_115 : i32
        %parallel_loop3A_118 = arith.index_cast %parallel_loop3A_117 : i32 to index
        %parallel_loop3A_119 = tpu.vector_load %arg6[%parallel_loop3A_118] {strides = array<i32>} : memref<16384xi32, #tpu.memory_space<vmem>>, vector<16xi32>,
        %parallel_loop3A_120 = vector.broadcast %rem3A_5 : i32 to vector<16xi32>
        %parallel_loop3A_121 = arith.addi %parallel_loop3A_119, %parallel_loop3A_120 : vector<16xi32>
        %parallel_loop3A_122 = tpu.vector_load_idx %arg5[%parallel_loop3A_121] : memref<100096xf32, #tpu.memory_space<vmem>>[vector<16xi32>], vector<16xf32>,
        %parallel_loop3A_123 = arith.constant 16 : i32
        %parallel_loop3A_124 = arith.muli %parallel_loop3A_113, %parallel_loop3A_123 : i32
        %parallel_loop3A_125 = arith.index_cast %parallel_loop3A_124 : i32 to index
        %parallel_loop3A_126 = tpu.vector_load %arg8[%parallel_loop3A_125] {strides = array<i32>} : memref<4096xf32, #tpu.memory_space<vmem>>, vector<16xf32>,
        tpu.vector_store %arg8[%parallel_loop3A_125], %parallel_loop3A_122 {strides = array<i32>} : memref<4096xf32, #tpu.memory_space<vmem>>, vector<16xf32>,
      } {sc.loop_unroll_factor = 8 : i64, sc.parallel_access}
      %dma_start3A_95 = arith.constant 12288 : i32
      %dma_start3A_96 = tpu.memref_slice %arg4[%add3A, %dma_start3A_95] : memref<26x16384xf32, #tpu.memory_space<hbm>> -> memref<1x4096xf32, #tpu.memory_space<hbm>>
      %dma_start3A_97 = tpu.memref_squeeze %dma_start3A_96 : memref<1x4096xf32, #tpu.memory_space<hbm>> -> memref<4096xf32, #tpu.memory_space<hbm>>
      %dma_start3A_98 = arith.constant 12288 : i32
      %dma_start3A_99 = tpu.memref_slice %arg4[%add3A, %dma_start3A_98] : memref<26x16384xf32, #tpu.memory_space<hbm>> -> memref<1x4096xf32, #tpu.memory_space<hbm>>
      %dma_start3A_100 = tpu.memref_squeeze %dma_start3A_99 : memref<1x4096xf32, #tpu.memory_space<hbm>> -> memref<4096xf32, #tpu.memory_space<hbm>>
      tpu.enqueue_dma source(%arg8 : memref<4096xf32, #tpu.memory_space<vmem>>) target(%dma_start3A_100 : memref<4096xf32, #tpu.memory_space<hbm>>) target_semaphore(%arg12 : memref<!tpu.dma_semaphore, #tpu.memory_space<semaphore_mem>>)
      %dma_wait3A_101 = arith.constant 8192 : i32
      %dma_wait3A_102 = tpu.memref_slice %arg4[%add3A, %dma_wait3A_101] : memref<26x16384xf32, #tpu.memory_space<hbm>> -> memref<1x4096xf32, #tpu.memory_space<hbm>>
      %dma_wait3A_103 = tpu.memref_squeeze %dma_wait3A_102 : memref<1x4096xf32, #tpu.memory_space<hbm>> -> memref<4096xf32, #tpu.memory_space<hbm>>
      %dma_wait3A_104 = arith.constant 8192 : i32
      %dma_wait3A_105 = tpu.memref_slice %arg4[%add3A, %dma_wait3A_104] : memref<26x16384xf32, #tpu.memory_space<hbm>> -> memref<1x4096xf32, #tpu.memory_space<hbm>>
      %dma_wait3A_106 = tpu.memref_squeeze %dma_wait3A_105 : memref<1x4096xf32, #tpu.memory_space<hbm>> -> memref<4096xf32, #tpu.memory_space<hbm>>
      tpu.wait_dma2 semaphore(%arg11 : memref<!tpu.dma_semaphore, #tpu.memory_space<semaphore_mem>>) src(%arg7 : memref<4096xf32, #tpu.memory_space<vmem>>) dst(%dma_wait3A_106 : memref<4096xf32, #tpu.memory_space<hbm>>)
      %dma_wait3A_107 = arith.constant 12288 : i32
      %dma_wait3A_108 = tpu.memref_slice %arg4[%add3A, %dma_wait3A_107] : memref<26x16384xf32, #tpu.memory_space<hbm>> -> memref<1x4096xf32, #tpu.memory_space<hbm>>
      %dma_wait3A_109 = tpu.memref_squeeze %dma_wait3A_108 : memref<1x4096xf32, #tpu.memory_space<hbm>> -> memref<4096xf32, #tpu.memory_space<hbm>>
      %dma_wait3A_110 = arith.constant 12288 : i32
      %dma_wait3A_111 = tpu.memref_slice %arg4[%add3A, %dma_wait3A_110] : memref<26x16384xf32, #tpu.memory_space<hbm>> -> memref<1x4096xf32, #tpu.memory_space<hbm>>
      %dma_wait3A_112 = tpu.memref_squeeze %dma_wait3A_111 : memref<1x4096xf32, #tpu.memory_space<hbm>> -> memref<4096xf32, #tpu.memory_space<hbm>>
      tpu.wait_dma2 semaphore(%arg12 : memref<!tpu.dma_semaphore, #tpu.memory_space<semaphore_mem>>) src(%arg8 : memref<4096xf32, #tpu.memory_space<vmem>>) dst(%dma_wait3A_112 : memref<4096xf32, #tpu.memory_space<hbm>>)
    } else {
    }
    return
  }
}

module attributes {stable_mosaic.version = 14 : i64} {
  func.func @_reduce_body(%arg0: memref<26x16384xf32, #tpu.memory_space<vmem>>, %arg1: memref<1x1xf32, #tpu.memory_space<vmem>>, %arg2: memref<1x16384xf32, #tpu.memory_space<vmem>>) attributes {dimension_semantics = [], scalar_prefetch = 0 : i64, scratch_operands = 0 : i64, tpu.core_type = #tpu.core_type<tc>} {
    %get3A = arith.constant 0 : index
    %get3A_0 = arith.constant 0 : index
    %get3A_1 = vector.load %arg0[%get3A, %get3A_0] : memref<26x16384xf32, #tpu.memory_space<vmem>>, vector<26x16384xf32>
    %reduce_sum3A = arith.constant dense<0.000000e+00> : vector<16384xf32>
    %reduce_sum3A_2 = vector.multi_reduction <add>, %get3A_1, %reduce_sum3A [0] : vector<26x16384xf32> to vector<16384xf32>
    %broadcast_in_dim3A = vector.shape_cast %reduce_sum3A_2 : vector<16384xf32> to vector<1x16384xf32>
    %get3A_3 = arith.constant 0 : index
    %get3A_4 = arith.constant 0 : index
    %get3A_5 = vector.load %arg1[%get3A_3, %get3A_4] : memref<1x1xf32, #tpu.memory_space<vmem>>, vector<1x1xf32>
    %get3A_6 = vector.extract %get3A_5[0, 0] : f32 from vector<1x1xf32>
    %add3A = vector.broadcast %get3A_6 : f32 to vector<1x16384xf32>
    %add3A_7 = arith.addf %broadcast_in_dim3A, %add3A : vector<1x16384xf32>
    %swap3A = arith.constant 0 : index
    %swap3A_8 = arith.constant 0 : index
    %swap3A_9 = vector.load %arg2[%swap3A, %swap3A_8] : memref<1x16384xf32, #tpu.memory_space<vmem>>, vector<1x16384xf32>
    tpu.vector_store %arg2[%swap3A, %swap3A_8], %add3A_7 {strides = array<i32>} : memref<1x16384xf32, #tpu.memory_space<vmem>>, vector<1x16384xf32>,
    return
  }
}

</mosaic_0001>

<sc_bundles>
// kernel: kernel.4.cloned.1.call-start
scs
__scs_entry_jumppad:
0x0: {  	(pc) =	sbr.rel $0x88, $3  }
0x1: {  	(tag) =	ssettag $0x0;
	lr =	simm.s32 $0x1  }
0x2: {  	[smem:$0x3F9E] =	sst lr;
	_ =	strace $0xD0000000  }
0x3: {  	_ = 	snop  }
0x4: {  	_ = 	snop  }
0x5: {  	_ = 	snop  }
0x6: {  	_ = 	snop  }
0x7: {  	_ = 	snop  }
__scs_overlays_trampoline_lowered:
0x8: {  	[smem:$0x3FAD] =	sst s0  }
0x9: {  	[smem:$0x3FAE] =	sst s1  }
0xa: {  	[smem:$0x3FAF] =	sst s2  }
0xb: {  	[smem:$0x3FB0] =	sst s3  }
0xc: {  	[smem:$0x3FB1] =	sst s4  }
0xd: {  	[smem:$0x3FB2] =	sst s5  }
0xe: {  	[smem:$0x3FB3] =	sst s6  }
0xf: {  	[smem:$0x3FB4] =	sst s7  }
0x10: {  	[smem:$0x3FB5] =	sst s8  }
0x11: {  	[smem:$0x3FB6] =	sst s9;
	s0 =	simm.s32 @!p0 $0x0  }
0x12: {  	s1 =	sld [smem:$0x3F9C];
	s0 =	simm.s32 @p0 $0x1  }
0x13: {  	[smem:$0x3FB7] =	sst s0;
	s0 =	simm.s32 @!p1 $0x0  }
0x14: {  	s2 =	sld [smem:$0x3F9B];
	s0 =	simm.s32 @p1 $0x1  }
0x15: {  	[smem:$0x3FB8] =	sst s0;
	s0 =	simm.s32 @!p2 $0x0  }
0x16: {  	s3 =	sld [smem:$0x3FDB];
	s0 =	simm.s32 @p2 $0x1  }
0x17: {  	s4 =	simm.s32 $0x1BF5;
	[smem:$0x3FBA] =	sst s0  }
0x18: {  	s0 =	sld [smem:$0x3F9D];
	_ =	swait.ge [sflag:s4], $0x0  }
0x19: {  	s7 =	sld [smem:$0x3F9E]  }
0x1a: {  	s8 =	sadd.s32 $0xFFFFE003, lr  }
0x1b: {  	s9 =	sadd.s32 $0xFFFFFEF7, lr;
	s5 =	simm.s32 $0xFFFFFFFF;
	p2 =	slt.u32 s8, $0xFFFFF086  }
0x1c: {  	p1 =	slt.u32 s9, $0xF7A;
	s5 =	simm.s32 @!p2 $0x0  }
0x1d: {  	s5 =	simm.s32 @p1 $0x1;
	p0 =	seq.s32 s7, s2  }
0x1e: {  	s7 =	smul.u32 @!p0 $0xF7A, s2;
	p2 =	seq.s32 @!p0 s5, $0x0  }
0x1f: {  	s9 =	smul.u32 $0xF7A, s1;
	s8 =	simm.s32 @!p0 $0x1BF5;
	p2 =	por !p2, p0  }
0x20: {  	[sflag:s8] =	ssyncset.s32 @!p0 $0xFFFFF086;
	s6 =	sadd.s32 @!p0 s3, s7;
	s7 =	simm.s32 @!p0 $0x108  }
0x21: {  	s3 =	sadd.s32 s3, s9;
	s6 =	sadd.s32 @!p0 $0x88, s6;
	s7 =	simm.s32 @p2 $0x1082  }
0x22: {  	[simem:s7], [sflag:s8] =	dma.local @!p0 [hbm:s6], $0xF7A  }
0x23: {  	s9 =	sor.u32 $0xD0000000, s2;
	s6 =	simm.s32 $0x108;
	_ =	swait.ge @!p0 [sflag:s8], $0x0  }
0x24: {  	s3 =	sadd.s32 $0x88, s3;
	s6 =	simm.s32 @!p1 $0x1082;
	[sflag:s4] =	ssyncset.s32 $0xFFFFF086  }
0x25: {  	[simem:s6], [sflag:s4] =	dma.local [hbm:s3], $0xF7A  }
0x26: {  	[smem:$0x3F9E] =	sst s1;
	(tag) =	ssettag s2;
	_ =	strace s9  }
0x27: {  	s1 =	sld [smem:$0x3FAE]  }
0x28: {  	s2 =	sld [smem:$0x3FAF]  }
0x29: {  	s4 =	sld [smem:$0x3FB1]  }
0x2a: {  	p0 =	seq.s32 s5, $0x0;
	s5 =	sld [smem:$0x3FB2]  }
0x2b: {  	s6 =	sld [smem:$0x3FB3]  }
0x2c: {  	s7 =	sld [smem:$0x3FB4]  }
0x2d: {  	s3 =	simm.s32 $0x108;
	s8 =	sld [smem:$0x3FB5]  }
0x2e: {  	s3 =	simm.s32 @!p0 $0x1082;
	s9 =	sld [smem:$0x3FB6]  }
0x2f: {  	lr =	sadd.s32 s0, s3;
	s0 =	sld [smem:$0x3FAD]  }
0x30: {  	s3 =	sld [smem:$0x3FB0]  }
0x31: {  	[smem:$0x3FB9] =	sst s10  }
0x32: {  	s10 =	sld [smem:$0x3FB7];
	_ =	sdelay $0x3  }
0x33: {  	p0 =	seq.s32 s10, $0x1;
	s10 =	sld [smem:$0x3FB9];
	_ =	sdelay $0x3  }
0x34: {  	[smem:$0x3FB9] =	sst s10  }
0x35: {  	s10 =	sld [smem:$0x3FB8];
	_ =	sdelay $0x3  }
0x36: {  	p1 =	seq.s32 s10, $0x1;
	s10 =	sld [smem:$0x3FB9];
	_ =	sdelay $0x3  }
0x37: {  	[smem:$0x3FB9] =	sst s10  }
0x38: {  	s10 =	sld [smem:$0x3FBA]  }
0x39: {  	_ = 	snop;
	(pc) =	sbr.ind lr, $3  }
0x3a: {  	_ = 	snop  }
0x3b: {  	_ = 	snop  }
0x3c: {  	p2 =	seq.s32 s10, $0x1;
	s10 =	sld [smem:$0x3FB9]  }
0x3d: {  	_ =	shalt  }
0x3e: {  	_ =	shalt  }
0x3f: {  	_ =	shalt  }
0x40: {  	_ =	shalt  }
0x41: {  	_ =	shalt  }
0x42: {  	_ =	shalt  }
0x43: {  	_ =	shalt  }
0x44: {  	_ =	shalt  }
0x45: {  	_ =	shalt  }
0x46: {  	_ =	shalt  }
0x47: {  	_ =	shalt  }
0x48: {  	_ =	shalt  }
0x49: {  	_ =	shalt  }
0x4a: {  	_ =	shalt  }
0x4b: {  	_ =	shalt  }
0x4c: {  	_ =	shalt  }
0x4d: {  	_ =	shalt  }
0x4e: {  	_ =	shalt  }
0x4f: {  	_ =	shalt  }
0x50: {  	_ =	shalt  }
0x51: {  	_ =	shalt  }
0x52: {  	_ =	shalt  }
0x53: {  	_ =	shalt  }
0x54: {  	_ =	shalt  }
0x55: {  	_ =	shalt  }
0x56: {  	_ =	shalt  }
0x57: {  	_ =	shalt  }
0x58: {  	_ =	shalt  }
0x59: {  	_ =	shalt  }
0x5a: {  	_ =	shalt  }
0x5b: {  	_ =	shalt  }
0x5c: {  	_ =	shalt  }
0x5d: {  	_ =	shalt  }
0x5e: {  	_ =	shalt  }
0x5f: {  	_ =	shalt  }
0x60: {  	_ =	shalt  }
0x61: {  	_ =	shalt  }
0x62: {  	_ =	shalt  }
0x63: {  	_ =	shalt  }
0x64: {  	_ =	shalt  }
0x65: {  	_ =	shalt  }
0x66: {  	_ =	shalt  }
0x67: {  	_ =	shalt  }
0x68: {  	_ =	shalt  }
0x69: {  	_ =	shalt  }
0x6a: {  	_ =	shalt  }
0x6b: {  	_ =	shalt  }
0x6c: {  	_ =	shalt  }
0x6d: {  	_ =	shalt  }
0x6e: {  	_ =	shalt  }
0x6f: {  	_ =	shalt  }
0x70: {  	_ =	shalt  }
0x71: {  	_ =	shalt  }
0x72: {  	_ =	shalt  }
0x73: {  	_ =	shalt  }
0x74: {  	_ =	shalt  }
0x75: {  	_ =	shalt  }
0x76: {  	_ =	shalt  }
0x77: {  	_ =	shalt  }
0x78: {  	_ =	shalt  }
0x79: {  	_ =	shalt  }
0x7a: {  	_ =	shalt  }
0x7b: {  	_ =	shalt  }
0x7c: {  	_ =	shalt  }
0x7d: {  	_ =	shalt  }
0x7e: {  	_ =	shalt  }
0x7f: {  	_ =	shalt  }
0x80: {  	_ =	shalt  }
0x81: {  	_ =	shalt  }
0x82: {  	_ =	shalt  }
0x83: {  	_ =	shalt  }
0x84: {  	_ =	shalt  }
0x85: {  	_ =	shalt  }
0x86: {  	_ =	shalt  }
0x87: {  	_ =	shalt  }
.Lfunc_end0:
.L_simem_size_0:
called_computation_lowered:
.L_overlay_start_0:
0x88: {  	s2 =	sld [smem:$0x3FD9]  }
0x89: {  	s3 =	sld [smem:$0x3FFE];
	_ =	sdelay $0x1  }
0x8a: {  	s1 =	srdreg.scid  }
0x8b: {  	s0 =	sand.u32 $0x1, s1  }
0x8c: {  	s17 =	sshll.u32 s0, $0xA;
	s2 =	sadd.s32 s3, s2  }
0x8d: {  	s2 =	sadd.s32 s2, s17  }
0x8e: {  	[smem:$0x3FC5] =	sst s2  }
0x8f: {  	_ = 	snop  }
0x90: {  	s2 =	sld [smem:$0x3FC9]  }
0x91: {  	s18 =	sld [smem:$0x3FC8];
	(tm) =	ssettm $0x1  }
0x92: {  	s4 =	sld [smem:$0x3FFB];
	_ =	sdelay $0x3  }
0x93: {  	_ =	strace s4  }
0x94: {  	s4 =	sld [smem:$0x3FFC];
	_ =	sdelay $0x3  }
0x95: {  	_ =	strace s4  }
0x96: {  	s4 =	sld [smem:$0x3FFD];
	_ =	sdelay $0x3  }
0x97: {  	_ =	strace s4  }
0x98: {  	_ =	strace $0x8FFFFFFF  }
0x99: {  	s19 =	sld [smem:$0x3FDB];
	_ =	sdelay $0x1  }
0x9a: {  	s5 =	simm.s32 $_scs_section_size  }
0x9b: {  	s6 =	simm.s32 $_size__tile_overlayer_lowered;
	s7 =	simm.s32 $_tile_overlayer_lowered  }
0x9c: {  	s22 =	simm.s32 $0x1BFF;
	s21 =	sshll.u32 s7, $0x1;
	s4 =	sadd.s32 s5, s19  }
0x9d: {  	s8 =	simm.s32 $0x0;
	s20 =	sshll.u32 s6, $0x1;
	s6 =	sadd.s32 s21, s4  }
0x9e: {  	[timem:s8], [sflag:s22] =	dma.local [hbm:s6], s20  }
0x9f: {  	_ =	swait.ge [sflag:s22], s20  }
0xa0: {  	s5 =	ssub.s32 $0x0, s20;
	[sflag:s22] =	ssyncset.done $0x0  }
0xa1: {  	[sflag:s22] =	ssyncadd.s32 s5;
	_ =	sdelay $0x1  }
0xa2: {  	s23 =	simm.s32 $0x1B8B  }
0xa3: {  	_ =	swait.ge [sflag:s23], $0x1  }
0xa4: {  	[sflag:s23] =	ssyncset.done $0x0  }
0xa5: {  	s25 =	simm.s32 $0x1B8E;
	s24 =	sld [smem:$0x3FFE];
	[sflag:s23] =	ssyncadd.s32 $0xFFFFFFFF  }
0xa6: {  	s26 =	simm.s32 $execute0_lowered;
	[smem:$0x3FD2] =	sst s25  }
0xa7: {  	s6 =	sshll.u32 s26, $0x1;
	_ =	strace $0x80000046;
	[dreg:$0x1] =	wrdreg $0xFFFFFFFF  }
0xa8: {  	s28 =	simm.s32 $_size_execute0_lowered;
	s4 =	sadd.s32 s4, s6;
	[dreg:$0x0] =	wrdreg $0x0  }
0xa9: {  	s6 =	sshll.u32 s28, $0x1;
	[dreg:$0x2] =	wrdreg s4  }
0xaa: {  	[dreg:$0x3] =	wrdreg s6  }
0xab: {  	[dreg:$0x4] =	wrdreg $0xC0  }
0xac: {  	_ =	task [dreg:s8], $0x5FFFF  }
0xad: {  	[dreg:$0x1] =	wrdreg $0xFFFFFFFF  }
0xae: {  	[dreg:$0x0] =	wrdreg $0x60  }
0xaf: {  	[dreg:$0x2] =	wrdreg s18  }
0xb0: {  	[dreg:$0x3] =	wrdreg s2  }
0xb1: {  	[dreg:$0x4] =	wrdreg s24  }
0xb2: {  	[dreg:$0x5] =	wrdreg $0x9  }
0xb3: {  	_ =	task.clear_ibuf [dreg:s8], $0x6FFFF;
	_ =	strace $0x90000046  }
0xb4: {  	s29 =	simm.s32 $0x9;
	_ =	strace $0x80000048  }
0xb5: {  	_ =	swait.ge [sflag:s29], $0x1  }
0xb6: {  	[sflag:s29] =	ssyncadd.s32 $0xFFFFFFFF  }
0xb7: {  	_ =	strace $0x90000048  }
0xb8: {  	_ =	sfence  }
0xb9: {  	s30 =	sld [smem:$0x0];
	_ =	sdelay $0x2  }
0xba: {  	s31 =	sshll.u32 s1, $0xD;
	s1 =	sshrl.u32 s1, $0x2  }
0xbb: {  	s3 =	sand.u32 $0x4000, s31;
	s1 =	sadd.s32 s1, s30  }
0xbc: {  	s0 =	sor.u32 s3, s0;
	s1 =	sshll.u32 s1, $0x11  }
0xbd: {  	s0 =	sor.u32 s1, s0  }
0xbe: {  	s0 =	sadd.s32 $0x8F2B, s0  }
0xbf: {  	[sflag:s0] =	ssyncadd.remote.s32 $0x1  }
0xc0: {  	_ =	sfence.sel $0xFFFF  }
0xc1: {  	[dreg:$0x0] =	wrdreg $0xFFFFFFFF;
	(pc) =	sbr.abs _section_cstart, $3  }
0xc2: {  	[dreg:$0x1] =	wrdreg $0xFFFFFFFF  }
0xc3: {  	_ =	task.clear_ibuf [dreg:s8], $0x2FFFF;
	_ =	strace $0x9FFFFFFF  }
0xc4: {  	(tm) =	ssettm $0x7FFFFFFF  }
0xc5: {  	_ =	shalt  }
tec
execute0_lowered:
.L_overlay_start_1:
0x0: {  	(tag) =	ssettag $0x1  }
0x1: {  	s1 =	stileid.u32  }
0x2: {  	p0 =	sgt.u32 s1, $0xC  }
.Ltmp0:
0x3: {  	s9 =	rddreg [dreg:$0x0];
	(pc) =	sbr.rel @p0 .LBB2_11-.Ltmp0, $4  }
0x4: {  	s7 =	rddreg [dreg:$0x1]  }
0x5: {  	s3 =	rddreg [dreg:$0x2];
	s2 =	simm.s32 $0x0  }
0x6: {  	[smem:$0x7FF] =	sst s2  }
0x7: {  	s0 =	rddreg [dreg:$0x3];
	_ =	strace $0x80000047  }
0x8: {  	s4 =	srdreg.scid  }
0x9: {  	s8 =	sand.u32 $0x1, s4  }
0xa: {  	s14 =	simm.s32 $0x18700;
	s15 =	simm.s32 $0x1;
	s4 =	smul.u32 $0xD, s8  }
0xb: {  	s16 =	simm.s32 $0x2;
	s17 =	simm.s32 $0x1C700;
	s18 =	simm.s32 $0x1D700  }
0xc: {  	s20 =	simm.s32 $0x4;
	s8 =	ssub.s32 $0x2, s8;
	s4 =	sadd.s32 s1, s4  }
0xd: {  	s5 =	sshll.u32 s4, $0xB;
	s6 =	sshll.u32 s4, $0x4;
	s10 =	smul.u32 $0x186A0, s4  }
0xe: {  	s21 =	simm.s32 $0x0;
	s13 =	sshrl.u32 s8, $0x1;
	s5 =	sor.u32 s6, s5  }
0xf: {  	s13 =	ssub.s32 s8, s13;
	s11 =	sand.u32 $0xC070, s5;
	s19 =	sand.u32 $0x60, s10  }
0x10: {  	s12 =	sand.u32 $0x3FFF80, s10;
	s10 =	sshrl.u32 s10, $0x3;
	s30 =	sadd.s32 s11, s3  }
0x11: {  	s12 =	sshrl.u32 s12, $0x3;
	s10 =	sand.u32 $0x7FFF0, s10;
	s7 =	sadd.s32 s7, s11  }
0x12: {  	s11 =	simm.s32 $0xC380;
	v0 =	vmov s19;
	s19 =	simm.s32 $0x3;
	s3 =	sadd.s32 $0x600, s30  }
0x13: {  	s4 =	sadd.s32 $0x1600, s30;
	s5 =	sadd.s32 $0x2600, s30;
	s6 =	sadd.s32 $0x3600, s30  }
0x14: {  	s31 =	sadd.s32 s9, s12;
	s9 =	sadd.s32 s9, s10;
	s10 =	smax.u32 s13, $0x1  }
0x15: {  	s12 =	simm.s32 $0x80;
	s13 =	simm.s32 $0x400;
	s8 =	sadd.s32 $0x1870, s31  }
.LBB2_2:
0x16: {  	[tilespmem:s2], [sflag:$0x1] =	stream.linear.gather [hbm4b:s9+s2], $0xC380, $0x38;
	[tilespmem:$0x1E700] =	vst v63  }
0x17: {  	_ = 	snop  }
0x18: {  	[tilespmem:s11], [sflag:$0x1] =	stream.linear.gather [hbm4b:s8+s2], $0xC380, $0x38;
	[tilespmem:$0x1E700] =	vst v63  }
0x19: {  	_ = 	snop  }
0x1a: {  	[tilespmem:s14], [sflag:$0x2] =	stream.strided.gather [hbm4b:s7+s12], $0x4000, s13, s12, $0x38;
	[tilespmem:$0x1E700] =	vst v63  }
0x1b: {  	_ =	swait.ge [sflag:s15], $0xC380  }
0x1c: {  	[sflag:s15] =	ssyncset.done $0x0  }
0x1d: {  	[sflag:s15] =	ssyncadd.s32 $0xFFFF3C80  }
0x1e: {  	_ =	swait.ge [sflag:s15], $0xC380  }
0x1f: {  	[sflag:s15] =	ssyncset.done $0x0  }
0x20: {  	[sflag:s15] =	ssyncadd.s32 $0xFFFF3C80  }
0x21: {  	_ =	swait.ge [sflag:s16], $0x4000  }
0x22: {  	[sflag:s16] =	ssyncset.done $0x0  }
0x23: {  	s22 =	simm.s32 $0x18740;
	[sflag:s16] =	ssyncadd.s32 $0xFFFFC000  }
0x24: {  	v1 =	vld [tilespmem:s22+$0x30]  }
0x25: {  	v2 =	vld [tilespmem:s22+$0xFFFFFFD0]  }
0x26: {  	v3 =	vld [tilespmem:s22+$0xFFFFFFE0]  }
0x27: {  	v4 =	vld [tilespmem:s22+$0xFFFFFFF0]  }
0x28: {  	v5 =	vld [tilespmem:s22+$0x0]  }
0x29: {  	v6 =	vld [tilespmem:s22+$0x10];
	v1 =	vadd.s32 v0, v1  }
0x2a: {  	v2 =	vadd.s32 v0, v2  }
0x2b: {  	v3 =	vadd.s32 v0, v3  }
0x2c: {  	v7 =	vld [tilespmem:s22+$0x20];
	v4 =	vadd.s32 v0, v4  }
0x2d: {  	v9 =	vld [tilespmem:s22+$0xFFFFFFC0];
	v10 =	vadd.s32 v0, v5  }
0x2e: {  	v11 =	vadd.s32 v0, v6;
	v8 =	vld.idx.msk [tilespmem:v1+s2+$0x0], $0xffff  }
0x2f: {  	v5 =	vld.idx.msk [tilespmem:v2+s2+$0x0], $0xffff  }
0x30: {  	v6 =	vld.idx.msk [tilespmem:v3+s2+$0x0], $0xffff  }
0x31: {  	v4 =	vld.idx.msk [tilespmem:v4+s2+$0x0], $0xffff  }
0x32: {  	v3 =	vld.idx.msk [tilespmem:v10+s2+$0x0], $0xffff  }
0x33: {  	s23 =	simm.s32 $0x0;
	s24 =	simm.s32 $0x187C0;
	s22 =	simm.s32 $0x1C740;
	v1 =	vadd.s32 v0, v7;
	v2 =	vadd.s32 v0, v9;
	v7 =	vld.idx.msk [tilespmem:v11+s2+$0x0], $0xffff  }
.LBB2_3:
0x34: {  	v9 =	vld [tilespmem:s24+$0x30];
	s23 =	sadd.s32 $0x8, s23;
	[tilespmem:s22+$0x30] =	vst v8  }
0x35: {  	v8 =	vld [tilespmem:s24+$0xFFFFFFD0];
	p0 =	slt.u32 s23, $0xF8;
	[tilespmem:s22+$0xFFFFFFD0] =	vst v5  }
0x36: {  	v5 =	vld [tilespmem:s24+$0xFFFFFFE0];
	[tilespmem:s22+$0xFFFFFFE0] =	vst v6  }
0x37: {  	v6 =	vld [tilespmem:s24+$0xFFFFFFF0];
	[tilespmem:s22+$0xFFFFFFF0] =	vst v4  }
0x38: {  	v4 =	vld [tilespmem:s24+$0x0];
	[tilespmem:s22+$0x0] =	vst v3  }
0x39: {  	v3 =	vld [tilespmem:s24+$0x10];
	v9 =	vadd.s32 v0, v9;
	[tilespmem:s22+$0x10] =	vst v7  }
0x3a: {  	v7 =	vadd.s32 v0, v8;
	v10 =	vld [tilespmem:s24+$0x20]  }
0x3b: {  	v11 =	vld [tilespmem:s24+$0xFFFFFFC0];
	v12 =	vadd.s32 v0, v5  }
0x3c: {  	v13 =	vadd.s32 v0, v6;
	v14 =	vld.idx.msk [tilespmem:v2+s2+$0x0], $0xffff  }
0x3d: {  	v15 =	vadd.s32 v0, v4;
	v16 =	vld.idx.msk [tilespmem:v1+s2+$0x0], $0xffff  }
0x3e: {  	v17 =	vadd.s32 v0, v3;
	v8 =	vld.idx.msk [tilespmem:v9+s2+$0x0], $0xffff  }
.Ltmp1:
0x3f: {  	v5 =	vld.idx.msk [tilespmem:v7+s2+$0x0], $0xffff;
	v1 =	vadd.s32 v0, v10;
	(pc) =	sbr.rel @p0 .LBB2_3-.Ltmp1, $4  }
0x40: {  	v2 =	vadd.s32 v0, v11;
	v6 =	vld.idx.msk [tilespmem:v12+s2+$0x0], $0xffff  }
0x41: {  	v4 =	vld.idx.msk [tilespmem:v13+s2+$0x0], $0xffff  }
0x42: {  	v3 =	vld.idx.msk [tilespmem:v15+s2+$0x0], $0xffff;
	[tilespmem:s22+$0xFFFFFFC0] =	vst v14  }
0x43: {  	s24 =	sadd.s32 $0x80, s24;
	v7 =	vld.idx.msk [tilespmem:v17+s2+$0x0], $0xffff;
	[tilespmem:s22+$0x20] =	vst v16;
	s22 =	sadd.s32 $0x80, s22  }
0x44: {  	_ =	sdelay $0x2  }
0x45: {  	[tilespmem:s22+$0x30] =	vst v8  }
0x46: {  	[tilespmem:s22+$0xFFFFFFD0] =	vst v5;
	v2 =	vld.idx.msk [tilespmem:v2+s2+$0x0], $0xffff  }
0x47: {  	v1 =	vld.idx.msk [tilespmem:v1+s2+$0x0], $0xffff;
	[tilespmem:s22+$0xFFFFFFE0] =	vst v6  }
0x48: {  	[tilespmem:s22+$0xFFFFFFF0] =	vst v4  }
0x49: {  	[tilespmem:s22+$0x0] =	vst v3  }
0x4a: {  	[tilespmem:s22+$0x10] =	vst v7  }
0x4b: {  	[tilespmem:s22+$0xFFFFFFC0] =	vst v2  }
0x4c: {  	s31 =	simm.s32 $0x19770;
	[tilespmem:s22+$0x20] =	vst v1  }
0x4d: {  	[hbm4b:s3+s12] =	stream.strided.scatter [tilespmem:s17], [sflag:$0x3], $0x1000, s13, s12, $0x38;
	[tilespmem:$0x1E700] =	vst v63  }
0x4e: {  	v1 =	vld [tilespmem:s31+$0x0]  }
0x4f: {  	v2 =	vld [tilespmem:s31+$0xFFFFFFA0]  }
0x50: {  	v3 =	vld [tilespmem:s31+$0xFFFFFFB0]  }
0x51: {  	v4 =	vld [tilespmem:s31+$0xFFFFFFC0]  }
0x52: {  	v5 =	vld [tilespmem:s31+$0xFFFFFFD0]  }
0x53: {  	v6 =	vld [tilespmem:s31+$0xFFFFFFE0];
	v1 =	vadd.s32 v0, v1  }
0x54: {  	v2 =	vadd.s32 v0, v2  }
0x55: {  	v3 =	vadd.s32 v0, v3  }
0x56: {  	v7 =	vld [tilespmem:s31+$0xFFFFFFF0];
	v4 =	vadd.s32 v0, v4  }
0x57: {  	v9 =	vld [tilespmem:s31+$0xFFFFFF90];
	v10 =	vadd.s32 v0, v5  }
0x58: {  	v11 =	vadd.s32 v0, v6;
	v8 =	vld.idx.msk [tilespmem:v1+s2+$0x0], $0xffff  }
0x59: {  	v5 =	vld.idx.msk [tilespmem:v2+s2+$0x0], $0xffff  }
0x5a: {  	v6 =	vld.idx.msk [tilespmem:v3+s2+$0x0], $0xffff  }
0x5b: {  	v4 =	vld.idx.msk [tilespmem:v4+s2+$0x0], $0xffff  }
0x5c: {  	v3 =	vld.idx.msk [tilespmem:v10+s2+$0x0], $0xffff  }
0x5d: {  	s23 =	simm.s32 $0x0;
	s24 =	simm.s32 $0x197F0;
	s22 =	simm.s32 $0x1D740;
	v1 =	vadd.s32 v0, v7;
	v2 =	vadd.s32 v0, v9;
	v7 =	vld.idx.msk [tilespmem:v11+s2+$0x0], $0xffff  }
.LBB2_5:
0x5e: {  	v9 =	vld [tilespmem:s24+$0x0];
	s23 =	sadd.s32 $0x8, s23;
	[tilespmem:s22+$0x30] =	vst v8  }
0x5f: {  	v8 =	vld [tilespmem:s24+$0xFFFFFFA0];
	p0 =	slt.u32 s23, $0xF8;
	[tilespmem:s22+$0xFFFFFFD0] =	vst v5  }
0x60: {  	v5 =	vld [tilespmem:s24+$0xFFFFFFB0];
	[tilespmem:s22+$0xFFFFFFE0] =	vst v6  }
0x61: {  	v6 =	vld [tilespmem:s24+$0xFFFFFFC0];
	[tilespmem:s22+$0xFFFFFFF0] =	vst v4  }
0x62: {  	v4 =	vld [tilespmem:s24+$0xFFFFFFD0];
	[tilespmem:s22+$0x0] =	vst v3  }
0x63: {  	v3 =	vld [tilespmem:s24+$0xFFFFFFE0];
	v9 =	vadd.s32 v0, v9;
	[tilespmem:s22+$0x10] =	vst v7  }
0x64: {  	v7 =	vadd.s32 v0, v8;
	v10 =	vld [tilespmem:s24+$0xFFFFFFF0]  }
0x65: {  	v11 =	vld [tilespmem:s24+$0xFFFFFF90];
	v12 =	vadd.s32 v0, v5  }
0x66: {  	v13 =	vadd.s32 v0, v6;
	v14 =	vld.idx.msk [tilespmem:v2+s2+$0x0], $0xffff  }
0x67: {  	v15 =	vadd.s32 v0, v4;
	v16 =	vld.idx.msk [tilespmem:v1+s2+$0x0], $0xffff  }
0x68: {  	v17 =	vadd.s32 v0, v3;
	v8 =	vld.idx.msk [tilespmem:v9+s2+$0x0], $0xffff  }
.Ltmp2:
0x69: {  	v5 =	vld.idx.msk [tilespmem:v7+s2+$0x0], $0xffff;
	v1 =	vadd.s32 v0, v10;
	(pc) =	sbr.rel @p0 .LBB2_5-.Ltmp2, $4  }
0x6a: {  	v2 =	vadd.s32 v0, v11;
	v6 =	vld.idx.msk [tilespmem:v12+s2+$0x0], $0xffff  }
0x6b: {  	v4 =	vld.idx.msk [tilespmem:v13+s2+$0x0], $0xffff  }
0x6c: {  	v3 =	vld.idx.msk [tilespmem:v15+s2+$0x0], $0xffff;
	[tilespmem:s22+$0xFFFFFFC0] =	vst v14  }
0x6d: {  	s24 =	sadd.s32 $0x80, s24;
	v7 =	vld.idx.msk [tilespmem:v17+s2+$0x0], $0xffff;
	[tilespmem:s22+$0x20] =	vst v16;
	s22 =	sadd.s32 $0x80, s22  }
0x6e: {  	_ =	sdelay $0x2  }
0x6f: {  	[tilespmem:s22+$0x30] =	vst v8  }
0x70: {  	[tilespmem:s22+$0xFFFFFFD0] =	vst v5;
	v2 =	vld.idx.msk [tilespmem:v2+s2+$0x0], $0xffff  }
0x71: {  	v1 =	vld.idx.msk [tilespmem:v1+s2+$0x0], $0xffff;
	[tilespmem:s22+$0xFFFFFFE0] =	vst v6  }
0x72: {  	[tilespmem:s22+$0xFFFFFFF0] =	vst v4  }
0x73: {  	[tilespmem:s22+$0x0] =	vst v3  }
0x74: {  	[tilespmem:s22+$0x10] =	vst v7  }
0x75: {  	[tilespmem:s22+$0xFFFFFFC0] =	vst v2  }
0x76: {  	[tilespmem:s22+$0x20] =	vst v1  }
0x77: {  	[hbm4b:s4+s12] =	stream.strided.scatter [tilespmem:s18], [sflag:$0x4], $0x1000, s13, s12, $0x38;
	[tilespmem:$0x1E700] =	vst v63  }
0x78: {  	_ =	swait.ge [sflag:s19], $0x1000  }
0x79: {  	[sflag:s19] =	ssyncset.done $0x0  }
0x7a: {  	s31 =	simm.s32 $0x1A770;
	[sflag:s19] =	ssyncadd.s32 $0xFFFFF000  }
0x7b: {  	v1 =	vld [tilespmem:s31+$0x0]  }
0x7c: {  	v2 =	vld [tilespmem:s31+$0xFFFFFFA0]  }
0x7d: {  	v3 =	vld [tilespmem:s31+$0xFFFFFFB0]  }
0x7e: {  	v4 =	vld [tilespmem:s31+$0xFFFFFFC0]  }
0x7f: {  	v5 =	vld [tilespmem:s31+$0xFFFFFFD0]  }
0x80: {  	v6 =	vld [tilespmem:s31+$0xFFFFFFE0];
	v1 =	vadd.s32 v0, v1  }
0x81: {  	v2 =	vadd.s32 v0, v2  }
0x82: {  	v3 =	vadd.s32 v0, v3  }
0x83: {  	v7 =	vld [tilespmem:s31+$0xFFFFFFF0];
	v4 =	vadd.s32 v0, v4  }
0x84: {  	v9 =	vld [tilespmem:s31+$0xFFFFFF90];
	v10 =	vadd.s32 v0, v5  }
0x85: {  	v11 =	vadd.s32 v0, v6;
	v8 =	vld.idx.msk [tilespmem:v1+s2+$0x0], $0xffff  }
0x86: {  	v5 =	vld.idx.msk [tilespmem:v2+s2+$0x0], $0xffff  }
0x87: {  	v6 =	vld.idx.msk [tilespmem:v3+s2+$0x0], $0xffff  }
0x88: {  	v4 =	vld.idx.msk [tilespmem:v4+s2+$0x0], $0xffff  }
0x89: {  	v3 =	vld.idx.msk [tilespmem:v10+s2+$0x0], $0xffff  }
0x8a: {  	s23 =	simm.s32 $0x0;
	s24 =	simm.s32 $0x1A7F0;
	s22 =	simm.s32 $0x1C740;
	v1 =	vadd.s32 v0, v7;
	v2 =	vadd.s32 v0, v9;
	v7 =	vld.idx.msk [tilespmem:v11+s2+$0x0], $0xffff  }
.LBB2_7:
0x8b: {  	v9 =	vld [tilespmem:s24+$0x0];
	s23 =	sadd.s32 $0x8, s23;
	[tilespmem:s22+$0x30] =	vst v8  }
0x8c: {  	v8 =	vld [tilespmem:s24+$0xFFFFFFA0];
	p0 =	slt.u32 s23, $0xF8;
	[tilespmem:s22+$0xFFFFFFD0] =	vst v5  }
0x8d: {  	v5 =	vld [tilespmem:s24+$0xFFFFFFB0];
	[tilespmem:s22+$0xFFFFFFE0] =	vst v6  }
0x8e: {  	v6 =	vld [tilespmem:s24+$0xFFFFFFC0];
	[tilespmem:s22+$0xFFFFFFF0] =	vst v4  }
0x8f: {  	v4 =	vld [tilespmem:s24+$0xFFFFFFD0];
	[tilespmem:s22+$0x0] =	vst v3  }
0x90: {  	v3 =	vld [tilespmem:s24+$0xFFFFFFE0];
	v9 =	vadd.s32 v0, v9;
	[tilespmem:s22+$0x10] =	vst v7  }
0x91: {  	v7 =	vadd.s32 v0, v8;
	v10 =	vld [tilespmem:s24+$0xFFFFFFF0]  }
0x92: {  	v11 =	vld [tilespmem:s24+$0xFFFFFF90];
	v12 =	vadd.s32 v0, v5  }
0x93: {  	v13 =	vadd.s32 v0, v6;
	v14 =	vld.idx.msk [tilespmem:v2+s2+$0x0], $0xffff  }
0x94: {  	v15 =	vadd.s32 v0, v4;
	v16 =	vld.idx.msk [tilespmem:v1+s2+$0x0], $0xffff  }
0x95: {  	v17 =	vadd.s32 v0, v3;
	v8 =	vld.idx.msk [tilespmem:v9+s2+$0x0], $0xffff  }
.Ltmp3:
0x96: {  	v5 =	vld.idx.msk [tilespmem:v7+s2+$0x0], $0xffff;
	v1 =	vadd.s32 v0, v10;
	(pc) =	sbr.rel @p0 .LBB2_7-.Ltmp3, $4  }
0x97: {  	v2 =	vadd.s32 v0, v11;
	v6 =	vld.idx.msk [tilespmem:v12+s2+$0x0], $0xffff  }
0x98: {  	v4 =	vld.idx.msk [tilespmem:v13+s2+$0x0], $0xffff  }
0x99: {  	v3 =	vld.idx.msk [tilespmem:v15+s2+$0x0], $0xffff;
	[tilespmem:s22+$0xFFFFFFC0] =	vst v14  }
0x9a: {  	s24 =	sadd.s32 $0x80, s24;
	v7 =	vld.idx.msk [tilespmem:v17+s2+$0x0], $0xffff;
	[tilespmem:s22+$0x20] =	vst v16;
	s22 =	sadd.s32 $0x80, s22  }
0x9b: {  	_ =	sdelay $0x2  }
0x9c: {  	[tilespmem:s22+$0x30] =	vst v8  }
0x9d: {  	[tilespmem:s22+$0xFFFFFFD0] =	vst v5;
	v2 =	vld.idx.msk [tilespmem:v2+s2+$0x0], $0xffff  }
0x9e: {  	v1 =	vld.idx.msk [tilespmem:v1+s2+$0x0], $0xffff;
	[tilespmem:s22+$0xFFFFFFE0] =	vst v6  }
0x9f: {  	[tilespmem:s22+$0xFFFFFFF0] =	vst v4  }
0xa0: {  	[tilespmem:s22+$0x0] =	vst v3  }
0xa1: {  	[tilespmem:s22+$0x10] =	vst v7  }
0xa2: {  	[tilespmem:s22+$0xFFFFFFC0] =	vst v2  }
0xa3: {  	[tilespmem:s22+$0x20] =	vst v1  }
0xa4: {  	[hbm4b:s5+s12] =	stream.strided.scatter [tilespmem:s17], [sflag:$0x3], $0x1000, s13, s12, $0x38;
	[tilespmem:$0x1E700] =	vst v63  }
0xa5: {  	_ =	swait.ge [sflag:s20], $0x1000  }
0xa6: {  	[sflag:s20] =	ssyncset.done $0x0  }
0xa7: {  	s31 =	simm.s32 $0x1B770;
	[sflag:s20] =	ssyncadd.s32 $0xFFFFF000  }
0xa8: {  	v1 =	vld [tilespmem:s31+$0x0]  }
0xa9: {  	v2 =	vld [tilespmem:s31+$0xFFFFFFA0]  }
0xaa: {  	v3 =	vld [tilespmem:s31+$0xFFFFFFB0]  }
0xab: {  	v4 =	vld [tilespmem:s31+$0xFFFFFFC0]  }
0xac: {  	v5 =	vld [tilespmem:s31+$0xFFFFFFD0]  }
0xad: {  	v6 =	vld [tilespmem:s31+$0xFFFFFFE0];
	v1 =	vadd.s32 v0, v1  }
0xae: {  	v2 =	vadd.s32 v0, v2  }
0xaf: {  	v3 =	vadd.s32 v0, v3  }
0xb0: {  	v7 =	vld [tilespmem:s31+$0xFFFFFFF0];
	v4 =	vadd.s32 v0, v4  }
0xb1: {  	v9 =	vld [tilespmem:s31+$0xFFFFFF90];
	v10 =	vadd.s32 v0, v5  }
0xb2: {  	v11 =	vadd.s32 v0, v6;
	v8 =	vld.idx.msk [tilespmem:v1+s2+$0x0], $0xffff  }
0xb3: {  	v5 =	vld.idx.msk [tilespmem:v2+s2+$0x0], $0xffff  }
0xb4: {  	v6 =	vld.idx.msk [tilespmem:v3+s2+$0x0], $0xffff  }
0xb5: {  	v4 =	vld.idx.msk [tilespmem:v4+s2+$0x0], $0xffff  }
0xb6: {  	v3 =	vld.idx.msk [tilespmem:v10+s2+$0x0], $0xffff  }
0xb7: {  	s23 =	simm.s32 $0x0;
	s24 =	simm.s32 $0x1B7F0;
	s22 =	simm.s32 $0x1D740;
	v1 =	vadd.s32 v0, v7;
	v2 =	vadd.s32 v0, v9;
	v7 =	vld.idx.msk [tilespmem:v11+s2+$0x0], $0xffff  }
.LBB2_9:
0xb8: {  	v9 =	vld [tilespmem:s24+$0x0];
	s23 =	sadd.s32 $0x8, s23;
	[tilespmem:s22+$0x30] =	vst v8  }
0xb9: {  	v8 =	vld [tilespmem:s24+$0xFFFFFFA0];
	p0 =	slt.u32 s23, $0xF8;
	[tilespmem:s22+$0xFFFFFFD0] =	vst v5  }
0xba: {  	v5 =	vld [tilespmem:s24+$0xFFFFFFB0];
	[tilespmem:s22+$0xFFFFFFE0] =	vst v6  }
0xbb: {  	v6 =	vld [tilespmem:s24+$0xFFFFFFC0];
	[tilespmem:s22+$0xFFFFFFF0] =	vst v4  }
0xbc: {  	v4 =	vld [tilespmem:s24+$0xFFFFFFD0];
	[tilespmem:s22+$0x0] =	vst v3  }
0xbd: {  	v3 =	vld [tilespmem:s24+$0xFFFFFFE0];
	v9 =	vadd.s32 v0, v9;
	[tilespmem:s22+$0x10] =	vst v7  }
0xbe: {  	v7 =	vadd.s32 v0, v8;
	v10 =	vld [tilespmem:s24+$0xFFFFFFF0]  }
0xbf: {  	v11 =	vld [tilespmem:s24+$0xFFFFFF90];
	v12 =	vadd.s32 v0, v5  }
0xc0: {  	v13 =	vadd.s32 v0, v6;
	v14 =	vld.idx.msk [tilespmem:v2+s2+$0x0], $0xffff  }
0xc1: {  	v15 =	vadd.s32 v0, v4;
	v16 =	vld.idx.msk [tilespmem:v1+s2+$0x0], $0xffff  }
0xc2: {  	v17 =	vadd.s32 v0, v3;
	v8 =	vld.idx.msk [tilespmem:v9+s2+$0x0], $0xffff  }
.Ltmp4:
0xc3: {  	v5 =	vld.idx.msk [tilespmem:v7+s2+$0x0], $0xffff;
	v1 =	vadd.s32 v0, v10;
	(pc) =	sbr.rel @p0 .LBB2_9-.Ltmp4, $4  }
0xc4: {  	v2 =	vadd.s32 v0, v11;
	v6 =	vld.idx.msk [tilespmem:v12+s2+$0x0], $0xffff  }
0xc5: {  	v4 =	vld.idx.msk [tilespmem:v13+s2+$0x0], $0xffff  }
0xc6: {  	v3 =	vld.idx.msk [tilespmem:v15+s2+$0x0], $0xffff;
	[tilespmem:s22+$0xFFFFFFC0] =	vst v14  }
0xc7: {  	s24 =	sadd.s32 $0x80, s24;
	v7 =	vld.idx.msk [tilespmem:v17+s2+$0x0], $0xffff;
	[tilespmem:s22+$0x20] =	vst v16;
	s22 =	sadd.s32 $0x80, s22  }
0xc8: {  	_ =	sdelay $0x2  }
0xc9: {  	[tilespmem:s22+$0x30] =	vst v8  }
0xca: {  	[tilespmem:s22+$0xFFFFFFD0] =	vst v5;
	v2 =	vld.idx.msk [tilespmem:v2+s2+$0x0], $0xffff  }
0xcb: {  	v1 =	vld.idx.msk [tilespmem:v1+s2+$0x0], $0xffff;
	[tilespmem:s22+$0xFFFFFFE0] =	vst v6  }
0xcc: {  	[tilespmem:s22+$0xFFFFFFF0] =	vst v4  }
0xcd: {  	[tilespmem:s22+$0x0] =	vst v3  }
0xce: {  	[tilespmem:s22+$0x10] =	vst v7  }
0xcf: {  	[tilespmem:s22+$0xFFFFFFC0] =	vst v2  }
0xd0: {  	s21 =	sadd.s32 $0x1, s21;
	[tilespmem:s22+$0x20] =	vst v1  }
0xd1: {  	[hbm4b:s6+s12] =	stream.strided.scatter [tilespmem:s18], [sflag:$0x4], $0x1000, s13, s12, $0x38;
	[tilespmem:$0x1E700] =	vst v63  }
0xd2: {  	p0 =	sne.s32 s21, s10;
	_ =	swait.ge [sflag:s19], $0x1000  }
.Ltmp5:
0xd3: {  	[sflag:s19] =	ssyncset.done $0x0;
	(pc) =	sbr.rel @p0 .LBB2_2-.Ltmp5, $4  }
0xd4: {  	[sflag:s19] =	ssyncadd.s32 $0xFFFFF000  }
0xd5: {  	_ =	swait.ge [sflag:s20], $0x1000  }
0xd6: {  	[sflag:s20] =	ssyncset.done $0x0  }
0xd7: {  	[sflag:s20] =	ssyncadd.s32 $0xFFFFF000  }
.LBB2_11:
0xd8: {  	_ =	sfence.sel $0x180000  }
0xd9: {  	[bflag:$0x0] =	sbarrier.arrive $0xFFFF  }
0xda: {  	p0 =	sne.s32 s1, $0x0;
	_ =	strace $0x90000047  }
0xdb: {  	s0 =	sadd.s32 @!p0 $0x100000, s0;
	[bflag:$0x2] =	sbarrier.arrive $0xFFFF  }
0xdc: {  	[sflag:s0] =	ssyncadd.tile.s32 @!p0 $0x1;
	_ =	shalt  }
.Lfunc_end2:
_tile_overlayer_lowered:
.L_overlay_start_2:
0xdd: {  	(tag) =	ssettag $0x2  }
0xde: {  	s0 =	rddreg [dreg:$0x0];
	s2 =	stileid.u32  }
0xdf: {  	s1 =	rddreg [dreg:$0x1];
	p0 =	sne.s32 s2, $0x0  }
0xe0: {  	s3 =	rddreg [dreg:$0x2];
	[bflag:$0x3] =	sbarrier.arrive $0xFFFF;
	s2 =	simm.s32 @!p0 $0x1C05  }
0xe1: {  	[timem:s3], [sflag:s2] =	dma.local @!p0 [hbm:s0], s1  }
0xe2: {  	s0 =	simm.s32 @!p0 $0x5  }
0xe3: {  	_ =	swait.ge @!p0 [sflag:s0], s1  }
0xe4: {  	s1 =	ssub.s32 @!p0 $0x0, s1;
	[sflag:s0] =	ssyncset.done @!p0 $0x0  }
0xe5: {  	[sflag:s0] =	ssyncadd.s32 @!p0 s1  }
0xe6: {  	[bflag:$0x3] =	sbarrier.arrive $0xFFFF  }
0xe7: {  	_ =	shalt  }

</sc_bundles>
